<compile_context>
chip_gen: v7x
topology: tpu7x:2x2x1
jax: 0.10.2.dev20260603
libtpu: 0.0.44.dev20260713+nightly
codegen_flags: <defaults>
</compile_context>

<pallas_src>
import functools

import jax
import jax.numpy as jnp
from jax import lax
from jax.experimental import pallas as pl
from jax.experimental.pallas import tpu as pltpu
from jax.experimental.pallas import tpu_sc as plsc


def kernel(x, pos_emb):
    batch = x.shape[0]
    max_len, d_model = pos_emb.shape
    block_rows = 512

    def body(p_ref, o_ref):
        o_ref[...] = jnp.broadcast_to(
            p_ref[...][None, :, :], (batch, block_rows, d_model)
        )

    out_tc = pl.pallas_call(
        body,
        grid=(max_len // block_rows,),
        in_specs=[pl.BlockSpec((block_rows, d_model), lambda i: (i, 0))],
        out_specs=pl.BlockSpec((batch, block_rows, d_model), lambda i: (0, i, 0)),
        out_shape=jax.ShapeDtypeStruct((batch, max_len, d_model), pos_emb.dtype),
    )(pos_emb)

    info = plsc.get_sparse_core_info()
    num_workers = info.num_cores * info.num_subcores
    rows_per_worker = max_len // num_workers
    chunk = 64
    n_chunks = rows_per_worker // chunk

    mesh = plsc.VectorSubcoreMesh(core_axis_name="c", subcore_axis_name="s")

    @functools.partial(
        pl.kernel,
        mesh=mesh,
        out_type=jax.ShapeDtypeStruct((max_len, d_model), pos_emb.dtype),
        scratch_types=[
            pltpu.VMEM((chunk, d_model), pos_emb.dtype),
            pltpu.SemaphoreType.DMA,
        ],
    )
    def sc_copy(table_hbm, out_hbm, buf, sem):
        wid = lax.axis_index("s") * info.num_cores + lax.axis_index("c")
        base = wid * rows_per_worker

        def loop(i, carry):
            r = base + i * chunk
            pltpu.sync_copy(table_hbm.at[pl.ds(r, chunk)], buf)
            pltpu.async_copy(buf, out_hbm.at[pl.ds(r, chunk)], sem).wait()
            return carry

        lax.fori_loop(0, n_chunks, loop, 0)

    out_sc = sc_copy(pos_emb)
    return out_tc, out_sc

# --- scband reference (transcript-rebuilt; emitter-appended) ---
"""Pipeline reference for scband-positional-embeddings-20005957665225 (READ-ONLY COPY).

The authoritative reference and input builder live on the scoring server;
editing this copy changes nothing except your own understanding.
"""

import jax, jax.numpy as jnp
import numpy as np

MAX_LEN = 8192
D_MODEL = 1024

def setup_inputs(seed: int = 0) -> dict:
    key = jax.random.key(seed)
    k1, k2 = jax.random.split(key)
    x = jax.random.randint(k1, (4, 8192), 0, 8192, dtype=jnp.int64)
    pos_emb = jax.random.normal(k2, (MAX_LEN, D_MODEL), dtype=jnp.float32) * 0.02
    return {"x": x, "pos_emb": pos_emb}

def reference(x, pos_emb):
    # Faithful translation of: self.pos_emb.unsqueeze(0).repeat(batch_size, 1, 1)
    # i.e., broadcast the positional embedding table over the batch dimension.
    batch_size = x.shape[0]
    return jnp.tile(pos_emb[None, :, :], (batch_size, 1, 1))

if __name__ == "__main__":
    import jax
    _d = setup_inputs()
    print(jax.jit(kernel)(*tuple(_d.values())))

</pallas_src>

<mosaic_0001>
#map = affine_map<(d0, d1) -> (0, 0)>
module attributes {stable_mosaic.version = 14 : i64} {
  func.func @sc_copy(%arg0: i32, %arg1: i32, %arg2: memref<8192x1024xf32, #tpu.memory_space<hbm>>, %arg3: memref<8192x1024xf32, #tpu.memory_space<hbm>>, %arg4: memref<64x1024xf32, #tpu.memory_space<vmem>>, %arg5: memref<!tpu.dma_semaphore, #tpu.memory_space<semaphore_mem>>) attributes {dimension_semantics = [#tpu.dimension_semantics<core_parallel>, #tpu.dimension_semantics<subcore_parallel>], iteration_bounds = array<i64: 2, 16>, scalar_prefetch = 0 : i64, scratch_operands = 2 : i64, tpu.core_type = #tpu.core_type<sc_vector_subcore>, window_params = [{transform_indices = #map}, {transform_indices = #map}]} {
    %mul3A = arith.constant 2 : i32
    %mul3A_0 = arith.muli %arg1, %mul3A : i32
    %add3A = arith.addi %mul3A_0, %arg0 : i32
    %mul3A_1 = arith.constant 256 : i32
    %mul3A_2 = arith.muli %add3A, %mul3A_1 : i32
    %scan3A = arith.constant 0 : i32
    %scan3A_3 = arith.constant 0 : i32
    %scan3A_4 = arith.constant 4 : i32
    %scan3A_5 = arith.addi %scan3A_3, %scan3A_4 : i32
    %scan3A_6 = arith.constant 1 : i32
    scf.for %scan3A_8 = %scan3A_3 to %scan3A_5 step %scan3A_6  : i32 {
      %mul3A_9 = arith.constant 64 : i32
      %mul3A_10 = arith.muli %scan3A_8, %mul3A_9 : i32
      %add3A_11 = arith.addi %mul3A_2, %mul3A_10 : i32
      "tpu.region"() ({
        %run_scoped3A = tpu.sem_alloc : memref<!tpu.dma_semaphore, #tpu.memory_space<semaphore_mem>>
        %dma_start3A_18 = arith.constant 0 : i32
        %dma_start3A_19 = tpu.memref_slice %arg2[%add3A_11, %dma_start3A_18] : memref<8192x1024xf32, #tpu.memory_space<hbm>> -> memref<64x1024xf32, #tpu.memory_space<hbm>>
        %dma_start3A_20 = arith.constant 0 : i32
        %dma_start3A_21 = tpu.memref_slice %arg2[%add3A_11, %dma_start3A_20] : memref<8192x1024xf32, #tpu.memory_space<hbm>> -> memref<64x1024xf32, #tpu.memory_space<hbm>>
        tpu.enqueue_dma source(%dma_start3A_21 : memref<64x1024xf32, #tpu.memory_space<hbm>>) target(%arg4 : memref<64x1024xf32, #tpu.memory_space<vmem>>) target_semaphore(%run_scoped3A : memref<!tpu.dma_semaphore, #tpu.memory_space<semaphore_mem>>)
        %dma_wait3A_22 = arith.constant 0 : i32
        %dma_wait3A_23 = tpu.memref_slice %arg2[%add3A_11, %dma_wait3A_22] : memref<8192x1024xf32, #tpu.memory_space<hbm>> -> memref<64x1024xf32, #tpu.memory_space<hbm>>
        %dma_wait3A_24 = arith.constant 0 : i32
        %dma_wait3A_25 = tpu.memref_slice %arg2[%add3A_11, %dma_wait3A_24] : memref<8192x1024xf32, #tpu.memory_space<hbm>> -> memref<64x1024xf32, #tpu.memory_space<hbm>>
        tpu.wait_dma2 semaphore(%run_scoped3A : memref<!tpu.dma_semaphore, #tpu.memory_space<semaphore_mem>>) src(%dma_wait3A_25 : memref<64x1024xf32, #tpu.memory_space<hbm>>) dst(%arg4 : memref<64x1024xf32, #tpu.memory_space<vmem>>)
        tpu.yield
      }) : () -> ()
      %dma_start3A = arith.constant 0 : i32
      %dma_start3A_12 = tpu.memref_slice %arg3[%add3A_11, %dma_start3A] : memref<8192x1024xf32, #tpu.memory_space<hbm>> -> memref<64x1024xf32, #tpu.memory_space<hbm>>
      %dma_start3A_13 = arith.constant 0 : i32
      %dma_start3A_14 = tpu.memref_slice %arg3[%add3A_11, %dma_start3A_13] : memref<8192x1024xf32, #tpu.memory_space<hbm>> -> memref<64x1024xf32, #tpu.memory_space<hbm>>
      tpu.enqueue_dma source(%arg4 : memref<64x1024xf32, #tpu.memory_space<vmem>>) target(%dma_start3A_14 : memref<64x1024xf32, #tpu.memory_space<hbm>>) target_semaphore(%arg5 : memref<!tpu.dma_semaphore, #tpu.memory_space<semaphore_mem>>)
      %dma_wait3A = arith.constant 0 : i32
      %dma_wait3A_15 = tpu.memref_slice %arg3[%add3A_11, %dma_wait3A] : memref<8192x1024xf32, #tpu.memory_space<hbm>> -> memref<64x1024xf32, #tpu.memory_space<hbm>>
      %dma_wait3A_16 = arith.constant 0 : i32
      %dma_wait3A_17 = tpu.memref_slice %arg3[%add3A_11, %dma_wait3A_16] : memref<8192x1024xf32, #tpu.memory_space<hbm>> -> memref<64x1024xf32, #tpu.memory_space<hbm>>
      tpu.wait_dma2 semaphore(%arg5 : memref<!tpu.dma_semaphore, #tpu.memory_space<semaphore_mem>>) src(%arg4 : memref<64x1024xf32, #tpu.memory_space<vmem>>) dst(%dma_wait3A_17 : memref<64x1024xf32, #tpu.memory_space<hbm>>)
    }
    %scan3A_7 = arith.constant 4 : i32
    return
  }
}

module attributes {stable_mosaic.version = 14 : i64} {
  func.func @body(%arg0: i32, %arg1: memref<512x1024xf32, #tpu.memory_space<vmem>>, %arg2: memref<4x512x1024xf32, #tpu.memory_space<vmem>>) attributes {dimension_semantics = [#tpu.dimension_semantics<arbitrary>], iteration_bounds = array<i64: 16>, scalar_prefetch = 0 : i64, scratch_operands = 0 : i64, tpu.core_type = #tpu.core_type<tc>, window_params = [{transform_indices = @transform_0, window_bounds = array<i64: 512, 1024>}, {transform_indices = @transform_1, window_bounds = array<i64: 4, 512, 1024>}]} {
    %get3A = arith.constant 0 : index
    %get3A_0 = arith.constant 0 : index
    %get3A_1 = vector.load %arg1[%get3A, %get3A_0] : memref<512x1024xf32, #tpu.memory_space<vmem>>, vector<512x1024xf32>
    %broadcast_in_dim3A = vector.shape_cast %get3A_1 : vector<512x1024xf32> to vector<1x512x1024xf32>
    %broadcast_in_dim3A_2 = vector.shape_cast %broadcast_in_dim3A : vector<1x512x1024xf32> to vector<1x512x1024xf32>
    %broadcast_in_dim3A_3 = vector.broadcast %broadcast_in_dim3A_2 : vector<1x512x1024xf32> to vector<4x512x1024xf32>
    %swap3A = arith.constant 0 : index
    %swap3A_4 = arith.constant 0 : index
    %swap3A_5 = arith.constant 0 : index
    %swap3A_6 = vector.load %arg2[%swap3A, %swap3A_4, %swap3A_5] : memref<4x512x1024xf32, #tpu.memory_space<vmem>>, vector<4x512x1024xf32>
    tpu.vector_store %arg2[%swap3A, %swap3A_4, %swap3A_5], %broadcast_in_dim3A_3 {strides = array<i32>} : memref<4x512x1024xf32, #tpu.memory_space<vmem>>, vector<4x512x1024xf32>,
    return
  }
  func.func @transform_0(%arg0: i32) -> (i32, i32) {
    %c0_i32 = arith.constant 0 : i32
    %c0_i32_0 = arith.constant 0 : i32
    return %arg0, %c0_i32 : i32, i32
  }
  func.func @transform_1(%arg0: i32) -> (i32, i32, i32) {
    %c0_i32 = arith.constant 0 : i32
    %c0_i32_0 = arith.constant 0 : i32
    %c0_i32_1 = arith.constant 0 : i32
    return %c0_i32, %arg0, %c0_i32_0 : i32, i32, i32
  }
}

</mosaic_0001>

<sc_bundles>
// kernel: kernel.4.cloned.1.call-start
scs
__scs_entry_jumppad:
0x0: {  	(pc) =	sbr.rel $0x88, $3  }
0x1: {  	(tag) =	ssettag $0x0;
	lr =	simm.s32 $0x1  }
0x2: {  	[smem:$0x3FA0] =	sst lr;
	_ =	strace $0xD0000000  }
0x3: {  	_ = 	snop  }
0x4: {  	_ = 	snop  }
0x5: {  	_ = 	snop  }
0x6: {  	_ = 	snop  }
0x7: {  	_ = 	snop  }
__scs_overlays_trampoline_lowered:
0x8: {  	[smem:$0x3FAF] =	sst s0  }
0x9: {  	[smem:$0x3FB0] =	sst s1  }
0xa: {  	[smem:$0x3FB1] =	sst s2  }
0xb: {  	[smem:$0x3FB2] =	sst s3  }
0xc: {  	[smem:$0x3FB3] =	sst s4  }
0xd: {  	[smem:$0x3FB4] =	sst s5  }
0xe: {  	[smem:$0x3FB5] =	sst s6  }
0xf: {  	[smem:$0x3FB6] =	sst s7  }
0x10: {  	[smem:$0x3FB7] =	sst s8  }
0x11: {  	[smem:$0x3FB8] =	sst s9;
	s0 =	simm.s32 @!p0 $0x0  }
0x12: {  	s1 =	sld [smem:$0x3F9E];
	s0 =	simm.s32 @p0 $0x1  }
0x13: {  	[smem:$0x3FB9] =	sst s0;
	s0 =	simm.s32 @!p1 $0x0  }
0x14: {  	s2 =	sld [smem:$0x3F9D];
	s0 =	simm.s32 @p1 $0x1  }
0x15: {  	[smem:$0x3FBA] =	sst s0;
	s0 =	simm.s32 @!p2 $0x0  }
0x16: {  	s3 =	sld [smem:$0x3FDB];
	s0 =	simm.s32 @p2 $0x1  }
0x17: {  	s4 =	simm.s32 $0x1BF5;
	[smem:$0x3FBC] =	sst s0  }
0x18: {  	s0 =	sld [smem:$0x3F9F];
	_ =	swait.ge [sflag:s4], $0x0  }
0x19: {  	s7 =	sld [smem:$0x3FA0]  }
0x1a: {  	s8 =	sadd.s32 $0xFFFFE003, lr  }
0x1b: {  	s9 =	sadd.s32 $0xFFFFFEF7, lr;
	s5 =	simm.s32 $0xFFFFFFFF;
	p2 =	slt.u32 s8, $0xFFFFF086  }
0x1c: {  	p1 =	slt.u32 s9, $0xF7A;
	s5 =	simm.s32 @!p2 $0x0  }
0x1d: {  	s5 =	simm.s32 @p1 $0x1;
	p0 =	seq.s32 s7, s2  }
0x1e: {  	s7 =	smul.u32 @!p0 $0xF7A, s2;
	p2 =	seq.s32 @!p0 s5, $0x0  }
0x1f: {  	s9 =	smul.u32 $0xF7A, s1;
	s8 =	simm.s32 @!p0 $0x1BF5;
	p2 =	por !p2, p0  }
0x20: {  	[sflag:s8] =	ssyncset.s32 @!p0 $0xFFFFF086;
	s6 =	sadd.s32 @!p0 s3, s7;
	s7 =	simm.s32 @!p0 $0x108  }
0x21: {  	s3 =	sadd.s32 s3, s9;
	s6 =	sadd.s32 @!p0 $0x88, s6;
	s7 =	simm.s32 @p2 $0x1082  }
0x22: {  	[simem:s7], [sflag:s8] =	dma.local @!p0 [hbm:s6], $0xF7A  }
0x23: {  	s9 =	sor.u32 $0xD0000000, s2;
	s6 =	simm.s32 $0x108;
	_ =	swait.ge @!p0 [sflag:s8], $0x0  }
0x24: {  	s3 =	sadd.s32 $0x88, s3;
	s6 =	simm.s32 @!p1 $0x1082;
	[sflag:s4] =	ssyncset.s32 $0xFFFFF086  }
0x25: {  	[simem:s6], [sflag:s4] =	dma.local [hbm:s3], $0xF7A  }
0x26: {  	[smem:$0x3FA0] =	sst s1;
	(tag) =	ssettag s2;
	_ =	strace s9  }
0x27: {  	s1 =	sld [smem:$0x3FB0]  }
0x28: {  	s2 =	sld [smem:$0x3FB1]  }
0x29: {  	s4 =	sld [smem:$0x3FB3]  }
0x2a: {  	p0 =	seq.s32 s5, $0x0;
	s5 =	sld [smem:$0x3FB4]  }
0x2b: {  	s6 =	sld [smem:$0x3FB5]  }
0x2c: {  	s7 =	sld [smem:$0x3FB6]  }
0x2d: {  	s3 =	simm.s32 $0x108;
	s8 =	sld [smem:$0x3FB7]  }
0x2e: {  	s3 =	simm.s32 @!p0 $0x1082;
	s9 =	sld [smem:$0x3FB8]  }
0x2f: {  	lr =	sadd.s32 s0, s3;
	s0 =	sld [smem:$0x3FAF]  }
0x30: {  	s3 =	sld [smem:$0x3FB2]  }
0x31: {  	[smem:$0x3FBB] =	sst s10  }
0x32: {  	s10 =	sld [smem:$0x3FB9];
	_ =	sdelay $0x3  }
0x33: {  	p0 =	seq.s32 s10, $0x1;
	s10 =	sld [smem:$0x3FBB];
	_ =	sdelay $0x3  }
0x34: {  	[smem:$0x3FBB] =	sst s10  }
0x35: {  	s10 =	sld [smem:$0x3FBA];
	_ =	sdelay $0x3  }
0x36: {  	p1 =	seq.s32 s10, $0x1;
	s10 =	sld [smem:$0x3FBB];
	_ =	sdelay $0x3  }
0x37: {  	[smem:$0x3FBB] =	sst s10  }
0x38: {  	s10 =	sld [smem:$0x3FBC]  }
0x39: {  	_ = 	snop;
	(pc) =	sbr.ind lr, $3  }
0x3a: {  	_ = 	snop  }
0x3b: {  	_ = 	snop  }
0x3c: {  	p2 =	seq.s32 s10, $0x1;
	s10 =	sld [smem:$0x3FBB]  }
0x3d: {  	_ =	shalt  }
0x3e: {  	_ =	shalt  }
0x3f: {  	_ =	shalt  }
0x40: {  	_ =	shalt  }
0x41: {  	_ =	shalt  }
0x42: {  	_ =	shalt  }
0x43: {  	_ =	shalt  }
0x44: {  	_ =	shalt  }
0x45: {  	_ =	shalt  }
0x46: {  	_ =	shalt  }
0x47: {  	_ =	shalt  }
0x48: {  	_ =	shalt  }
0x49: {  	_ =	shalt  }
0x4a: {  	_ =	shalt  }
0x4b: {  	_ =	shalt  }
0x4c: {  	_ =	shalt  }
0x4d: {  	_ =	shalt  }
0x4e: {  	_ =	shalt  }
0x4f: {  	_ =	shalt  }
0x50: {  	_ =	shalt  }
0x51: {  	_ =	shalt  }
0x52: {  	_ =	shalt  }
0x53: {  	_ =	shalt  }
0x54: {  	_ =	shalt  }
0x55: {  	_ =	shalt  }
0x56: {  	_ =	shalt  }
0x57: {  	_ =	shalt  }
0x58: {  	_ =	shalt  }
0x59: {  	_ =	shalt  }
0x5a: {  	_ =	shalt  }
0x5b: {  	_ =	shalt  }
0x5c: {  	_ =	shalt  }
0x5d: {  	_ =	shalt  }
0x5e: {  	_ =	shalt  }
0x5f: {  	_ =	shalt  }
0x60: {  	_ =	shalt  }
0x61: {  	_ =	shalt  }
0x62: {  	_ =	shalt  }
0x63: {  	_ =	shalt  }
0x64: {  	_ =	shalt  }
0x65: {  	_ =	shalt  }
0x66: {  	_ =	shalt  }
0x67: {  	_ =	shalt  }
0x68: {  	_ =	shalt  }
0x69: {  	_ =	shalt  }
0x6a: {  	_ =	shalt  }
0x6b: {  	_ =	shalt  }
0x6c: {  	_ =	shalt  }
0x6d: {  	_ =	shalt  }
0x6e: {  	_ =	shalt  }
0x6f: {  	_ =	shalt  }
0x70: {  	_ =	shalt  }
0x71: {  	_ =	shalt  }
0x72: {  	_ =	shalt  }
0x73: {  	_ =	shalt  }
0x74: {  	_ =	shalt  }
0x75: {  	_ =	shalt  }
0x76: {  	_ =	shalt  }
0x77: {  	_ =	shalt  }
0x78: {  	_ =	shalt  }
0x79: {  	_ =	shalt  }
0x7a: {  	_ =	shalt  }
0x7b: {  	_ =	shalt  }
0x7c: {  	_ =	shalt  }
0x7d: {  	_ =	shalt  }
0x7e: {  	_ =	shalt  }
0x7f: {  	_ =	shalt  }
0x80: {  	_ =	shalt  }
0x81: {  	_ =	shalt  }
0x82: {  	_ =	shalt  }
0x83: {  	_ =	shalt  }
0x84: {  	_ =	shalt  }
0x85: {  	_ =	shalt  }
0x86: {  	_ =	shalt  }
0x87: {  	_ =	shalt  }
.Lfunc_end0:
.L_simem_size_0:
called_computation_lowered:
.L_overlay_start_0:
0x88: {  	s2 =	sld [smem:$0x3FD9]  }
0x89: {  	s3 =	sld [smem:$0x3FFE];
	_ =	sdelay $0x1  }
0x8a: {  	s1 =	srdreg.scid  }
0x8b: {  	s0 =	sand.u32 $0x1, s1  }
0x8c: {  	s15 =	sshll.u32 s0, $0xA;
	s2 =	sadd.s32 s3, s2  }
0x8d: {  	s2 =	sadd.s32 s2, s15  }
0x8e: {  	[smem:$0x3FC7] =	sst s2  }
0x8f: {  	_ = 	snop  }
0x90: {  	s2 =	sld [smem:$0x3FD0];
	_ =	sdelay $0x2  }
0x91: {  	s4 =	simm.s32 $0xA;
	s5 =	simm.s32 $0x10;
	s16 =	sld [smem:$0x3FC9]  }
0x92: {  	[smem:s5], [sflag:s4] =	dma.local [hbm:s2], $0x1  }
0x93: {  	_ =	swait.eq [sflag:s4], $0x1  }
0x94: {  	[sflag:s4] =	ssyncset.done $0x0  }
0x95: {  	[sflag:s4] =	ssyncadd.s32 $0xFFFFFFFF  }
0x96: {  	s17 =	sld [smem:$0x11];
	(tm) =	ssettm $0x1  }
0x97: {  	s18 =	sld [smem:$0x3FFB];
	_ =	sdelay $0x3  }
0x98: {  	_ =	strace s18  }
0x99: {  	s4 =	sld [smem:$0x3FFC];
	_ =	sdelay $0x3  }
0x9a: {  	_ =	strace s4  }
0x9b: {  	s4 =	sld [smem:$0x3FFD];
	_ =	sdelay $0x3  }
0x9c: {  	_ =	strace s4  }
0x9d: {  	_ =	strace $0x8FFFFFFF  }
0x9e: {  	s19 =	sld [smem:$0x3FDB];
	_ =	sdelay $0x1  }
0x9f: {  	s20 =	simm.s32 $_scs_section_size  }
0xa0: {  	s6 =	simm.s32 $_size__tile_overlayer_lowered;
	s7 =	simm.s32 $_tile_overlayer_lowered  }
0xa1: {  	s23 =	simm.s32 $0x1BFF;
	s22 =	sshll.u32 s7, $0x1;
	s4 =	sadd.s32 s20, s19  }
0xa2: {  	s8 =	simm.s32 $0x0;
	s21 =	sshll.u32 s6, $0x1;
	s6 =	sadd.s32 s22, s4  }
0xa3: {  	[timem:s8], [sflag:s23] =	dma.local [hbm:s6], s21  }
0xa4: {  	_ =	swait.ge [sflag:s23], s21  }
0xa5: {  	s5 =	ssub.s32 $0x0, s21;
	[sflag:s23] =	ssyncset.done $0x0  }
0xa6: {  	[sflag:s23] =	ssyncadd.s32 s5;
	_ =	sdelay $0x1  }
0xa7: {  	s24 =	simm.s32 $0x1B8B  }
0xa8: {  	_ =	swait.ge [sflag:s24], $0x1  }
0xa9: {  	[sflag:s24] =	ssyncset.done $0x0  }
0xaa: {  	s25 =	simm.s32 $0x1B8E;
	[sflag:s24] =	ssyncadd.s32 $0xFFFFFFFF  }
0xab: {  	s26 =	simm.s32 $execute0_lowered;
	[smem:$0x3FD2] =	sst s25  }
0xac: {  	s5 =	sshll.u32 s26, $0x1;
	_ =	strace $0x80000046;
	[dreg:$0x1] =	wrdreg $0xFFFFFFFF  }
0xad: {  	s28 =	simm.s32 $_size_execute0_lowered;
	s4 =	sadd.s32 s4, s5;
	[dreg:$0x0] =	wrdreg $0x0  }
0xae: {  	s5 =	sshll.u32 s28, $0x1;
	[dreg:$0x2] =	wrdreg s4  }
0xaf: {  	[dreg:$0x3] =	wrdreg s5  }
0xb0: {  	[dreg:$0x4] =	wrdreg $0xC0  }
0xb1: {  	_ =	task [dreg:s8], $0x5FFFF  }
0xb2: {  	[dreg:$0x1] =	wrdreg $0xFFFFFFFF  }
0xb3: {  	[dreg:$0x0] =	wrdreg $0x60  }
0xb4: {  	[dreg:$0x2] =	wrdreg s16  }
0xb5: {  	[dreg:$0x3] =	wrdreg s17  }
0xb6: {  	[dreg:$0x4] =	wrdreg $0x9  }
0xb7: {  	_ =	task.clear_ibuf [dreg:s8], $0x5FFFF;
	_ =	strace $0x90000046  }
0xb8: {  	s29 =	simm.s32 $0x9;
	_ =	strace $0x80000048  }
0xb9: {  	_ =	swait.ge [sflag:s29], $0x1  }
0xba: {  	[sflag:s29] =	ssyncadd.s32 $0xFFFFFFFF  }
0xbb: {  	_ =	strace $0x90000048  }
0xbc: {  	_ =	sfence  }
0xbd: {  	s30 =	sld [smem:$0x0];
	_ =	sdelay $0x2  }
0xbe: {  	s31 =	sshll.u32 s1, $0xD;
	s1 =	sshrl.u32 s1, $0x2  }
0xbf: {  	s3 =	sand.u32 $0x4000, s31;
	s1 =	sadd.s32 s1, s30  }
0xc0: {  	s0 =	sor.u32 s3, s0;
	s1 =	sshll.u32 s1, $0x11  }
0xc1: {  	s0 =	sor.u32 s1, s0  }
0xc2: {  	s0 =	sadd.s32 $0x8F2B, s0  }
0xc3: {  	[sflag:s0] =	ssyncadd.remote.s32 $0x1  }
0xc4: {  	_ =	sfence.sel $0xFFFF  }
0xc5: {  	[dreg:$0x0] =	wrdreg $0xFFFFFFFF;
	(pc) =	sbr.abs _section_cstart, $3  }
0xc6: {  	[dreg:$0x1] =	wrdreg $0xFFFFFFFF  }
0xc7: {  	_ =	task.clear_ibuf [dreg:s8], $0x2FFFF;
	_ =	strace $0x9FFFFFFF  }
0xc8: {  	(tm) =	ssettm $0x7FFFFFFF  }
0xc9: {  	_ =	shalt  }
tec
execute0_lowered:
.L_overlay_start_1:
0x0: {  	(tag) =	ssettag $0x1  }
0x1: {  	s11 =	rddreg [dreg:$0x0]  }
0x2: {  	s12 =	rddreg [dreg:$0x1];
	s2 =	srdreg.scid  }
0x3: {  	s0 =	rddreg [dreg:$0x2];
	s1 =	stileid.u32;
	s13 =	sand.u32 $0x1, s2  }
0x4: {  	s2 =	simm.s32 $0x0;
	s3 =	sshll.u32 s1, $0x10;
	s4 =	sshll.u32 s13, $0xF  }
0x5: {  	[smem:$0x7FF] =	sst s2;
	s14 =	sor.u32 s4, s3  }
0x6: {  	_ =	strace $0x80000047;
	s4 =	simm.s32 $0x2;
	s3 =	sadd.s32 s11, s14  }
0x7: {  	[tilespmem:s2], [sflag:$0x2] =	stream.linear.gather [hbm4b:s3+s2], $0x10000, $0x38;
	[tilespmem:$0x10000] =	vst v63  }
0x8: {  	_ =	swait.ge [sflag:s4], $0x10000  }
0x9: {  	[sflag:s4] =	ssyncset.done $0x0  }
0xa: {  	s5 =	simm.s32 $0x1;
	s6 =	sadd.s32 s12, s14;
	[sflag:s4] =	ssyncadd.s32 $0xFFFF0000  }
0xb: {  	[hbm4b:s6+s2] =	stream.linear.scatter [tilespmem:s2], [sflag:$0x1], $0x10000, $0x38;
	[tilespmem:$0x10000] =	vst v63  }
0xc: {  	_ =	swait.ge [sflag:s5], $0x10000  }
0xd: {  	s8 =	sor.u32 $0x2000, s14;
	[sflag:s5] =	ssyncset.done $0x0  }
0xe: {  	s7 =	sadd.s32 s11, s8;
	[sflag:s5] =	ssyncadd.s32 $0xFFFF0000  }
0xf: {  	[tilespmem:s2], [sflag:$0x2] =	stream.linear.gather [hbm4b:s7+s2], $0x10000, $0x38;
	[tilespmem:$0x10000] =	vst v63  }
0x10: {  	_ =	swait.ge [sflag:s4], $0x10000  }
0x11: {  	[sflag:s4] =	ssyncset.done $0x0  }
0x12: {  	s8 =	sadd.s32 s12, s8;
	[sflag:s4] =	ssyncadd.s32 $0xFFFF0000  }
0x13: {  	[hbm4b:s8+s2] =	stream.linear.scatter [tilespmem:s2], [sflag:$0x1], $0x10000, $0x38;
	[tilespmem:$0x10000] =	vst v63  }
0x14: {  	_ =	swait.ge [sflag:s5], $0x10000  }
0x15: {  	s10 =	sor.u32 $0x4000, s14;
	[sflag:s5] =	ssyncset.done $0x0  }
0x16: {  	s9 =	sadd.s32 s11, s10;
	[sflag:s5] =	ssyncadd.s32 $0xFFFF0000  }
0x17: {  	[tilespmem:s2], [sflag:$0x2] =	stream.linear.gather [hbm4b:s9+s2], $0x10000, $0x38;
	[tilespmem:$0x10000] =	vst v63  }
0x18: {  	_ =	swait.ge [sflag:s4], $0x10000  }
0x19: {  	[sflag:s4] =	ssyncset.done $0x0  }
0x1a: {  	s13 =	ssub.s32 $0x2, s13;
	s10 =	sadd.s32 s12, s10;
	[sflag:s4] =	ssyncadd.s32 $0xFFFF0000  }
0x1b: {  	[hbm4b:s10+s2] =	stream.linear.scatter [tilespmem:s2], [sflag:$0x1], $0x10000, $0x38;
	[tilespmem:$0x10000] =	vst v63  }
0x1c: {  	s15 =	sshrl.u32 s13, $0x1;
	_ =	swait.ge [sflag:s5], $0x10000  }
0x1d: {  	s14 =	sor.u32 $0x6000, s14;
	s13 =	ssub.s32 s13, s15;
	[sflag:s5] =	ssyncset.done $0x0  }
0x1e: {  	s11 =	sadd.s32 s11, s14;
	s13 =	smax.u32 s13, $0x1;
	[sflag:s5] =	ssyncadd.s32 $0xFFFF0000  }
0x1f: {  	[tilespmem:s2], [sflag:$0x2] =	stream.linear.gather [hbm4b:s11+s2], $0x10000, $0x38;
	[tilespmem:$0x10000] =	vst v63  }
0x20: {  	p0 =	sne.s32 s13, $0x1;
	_ =	swait.ge [sflag:s4], $0x10000  }
.Ltmp0:
0x21: {  	[sflag:s4] =	ssyncset.done $0x0;
	(pc) =	sbr.rel @!p0 .LBB2_2-.Ltmp0, $4  }
0x22: {  	s12 =	sadd.s32 s12, s14;
	[sflag:s4] =	ssyncadd.s32 $0xFFFF0000  }
0x23: {  	[hbm4b:s12+s2] =	stream.linear.scatter [tilespmem:s2], [sflag:$0x1], $0x10000, $0x38;
	[tilespmem:$0x10000] =	vst v63  }
0x24: {  	_ =	swait.ge [sflag:s5], $0x10000  }
0x25: {  	s13 =	sadd.s32 $0xFFFFFFFF, s13;
	[sflag:s5] =	ssyncset.done $0x0  }
.LBB2_1:
0x26: {  	p0 =	sne.s32 s13, $0x1;
	s13 =	sadd.s32 $0xFFFFFFFF, s13;
	[sflag:s5] =	ssyncadd.s32 $0xFFFF0000  }
0x27: {  	[tilespmem:s2], [sflag:$0x2] =	stream.linear.gather [hbm4b:s3+s2], $0x10000, $0x38;
	[tilespmem:$0x10000] =	vst v63  }
0x28: {  	_ =	swait.ge [sflag:s4], $0x10000  }
0x29: {  	[sflag:s4] =	ssyncset.done $0x0  }
0x2a: {  	[sflag:s4] =	ssyncadd.s32 $0xFFFF0000  }
0x2b: {  	[hbm4b:s6+s2] =	stream.linear.scatter [tilespmem:s2], [sflag:$0x1], $0x10000, $0x38;
	[tilespmem:$0x10000] =	vst v63  }
0x2c: {  	_ =	swait.ge [sflag:s5], $0x10000  }
0x2d: {  	[sflag:s5] =	ssyncset.done $0x0  }
0x2e: {  	[sflag:s5] =	ssyncadd.s32 $0xFFFF0000  }
0x2f: {  	[tilespmem:s2], [sflag:$0x2] =	stream.linear.gather [hbm4b:s7+s2], $0x10000, $0x38;
	[tilespmem:$0x10000] =	vst v63  }
0x30: {  	_ =	swait.ge [sflag:s4], $0x10000  }
0x31: {  	[sflag:s4] =	ssyncset.done $0x0  }
0x32: {  	[sflag:s4] =	ssyncadd.s32 $0xFFFF0000  }
0x33: {  	[hbm4b:s8+s2] =	stream.linear.scatter [tilespmem:s2], [sflag:$0x1], $0x10000, $0x38;
	[tilespmem:$0x10000] =	vst v63  }
0x34: {  	_ =	swait.ge [sflag:s5], $0x10000  }
0x35: {  	[sflag:s5] =	ssyncset.done $0x0  }
0x36: {  	[sflag:s5] =	ssyncadd.s32 $0xFFFF0000  }
0x37: {  	[tilespmem:s2], [sflag:$0x2] =	stream.linear.gather [hbm4b:s9+s2], $0x10000, $0x38;
	[tilespmem:$0x10000] =	vst v63  }
0x38: {  	_ =	swait.ge [sflag:s4], $0x10000  }
0x39: {  	[sflag:s4] =	ssyncset.done $0x0  }
0x3a: {  	[sflag:s4] =	ssyncadd.s32 $0xFFFF0000  }
0x3b: {  	[hbm4b:s10+s2] =	stream.linear.scatter [tilespmem:s2], [sflag:$0x1], $0x10000, $0x38;
	[tilespmem:$0x10000] =	vst v63  }
0x3c: {  	_ =	swait.ge [sflag:s5], $0x10000  }
0x3d: {  	[sflag:s5] =	ssyncset.done $0x0  }
0x3e: {  	[sflag:s5] =	ssyncadd.s32 $0xFFFF0000  }
0x3f: {  	[tilespmem:s2], [sflag:$0x2] =	stream.linear.gather [hbm4b:s11+s2], $0x10000, $0x38;
	[tilespmem:$0x10000] =	vst v63  }
0x40: {  	_ =	swait.ge [sflag:s4], $0x10000  }
.Ltmp1:
0x41: {  	[sflag:s4] =	ssyncset.done $0x0;
	(pc) =	sbr.rel @p0 .LBB2_1-.Ltmp1, $4  }
0x42: {  	[sflag:s4] =	ssyncadd.s32 $0xFFFF0000  }
0x43: {  	[hbm4b:s12+s2] =	stream.linear.scatter [tilespmem:s2], [sflag:$0x1], $0x10000, $0x38;
	[tilespmem:$0x10000] =	vst v63  }
0x44: {  	_ =	swait.ge [sflag:s5], $0x10000  }
0x45: {  	[sflag:s5] =	ssyncset.done $0x0  }
.LBB2_2:
0x46: {  	[sflag:s5] =	ssyncadd.s32 $0xFFFF0000  }
0x47: {  	_ =	sfence.sel $0x180000  }
0x48: {  	[bflag:$0x0] =	sbarrier.arrive $0xFFFF  }
0x49: {  	p0 =	sne.s32 s1, $0x0;
	_ =	strace $0x90000047  }
0x4a: {  	s0 =	sadd.s32 @!p0 $0x100000, s0;
	[bflag:$0x2] =	sbarrier.arrive $0xFFFF  }
0x4b: {  	[sflag:s0] =	ssyncadd.tile.s32 @!p0 $0x1;
	_ =	shalt  }
.Lfunc_end2:
_tile_overlayer_lowered:
.L_overlay_start_2:
0x4c: {  	(tag) =	ssettag $0x2  }
0x4d: {  	s0 =	rddreg [dreg:$0x0];
	s2 =	stileid.u32  }
0x4e: {  	s1 =	rddreg [dreg:$0x1];
	p0 =	sne.s32 s2, $0x0  }
0x4f: {  	s3 =	rddreg [dreg:$0x2];
	[bflag:$0x3] =	sbarrier.arrive $0xFFFF;
	s2 =	simm.s32 @!p0 $0x1C02  }
0x50: {  	[timem:s3], [sflag:s2] =	dma.local @!p0 [hbm:s0], s1  }
0x51: {  	s0 =	simm.s32 @!p0 $0x2  }
0x52: {  	_ =	swait.ge @!p0 [sflag:s0], s1  }
0x53: {  	s1 =	ssub.s32 @!p0 $0x0, s1;
	[sflag:s0] =	ssyncset.done @!p0 $0x0  }
0x54: {  	[sflag:s0] =	ssyncadd.s32 @!p0 s1  }
0x55: {  	[bflag:$0x3] =	sbarrier.arrive $0xFFFF  }
0x56: {  	_ =	shalt  }

</sc_bundles>
